<compile_context>
chip_gen: v7x
topology: tpu7x:2x2x1
jax: 0.10.2.dev20260603
libtpu: 0.0.44.dev20260713+nightly
codegen_flags: <defaults>
</compile_context>

<pallas_src>
import jax
import jax.numpy as jnp
from jax.experimental import pallas as pl
from jax.experimental.pallas import tpu as pltpu

_T = 4


def _stitch_kernel(meta_ref, x0_ref, x1_ref, x2_ref, x3_ref,
                   sW_ref, sb_ref, pW_ref, pb_ref, o_ref,
                   sWb, pWb, xg):
    s = pl.program_id(0)
    n_tiles = pl.num_programs(0)
    F = x0_ref.shape[1]

    @pl.when(s == 0)
    def _cast_weights():
        sWb[...] = sW_ref[...].astype(jnp.bfloat16)
        pWb[...] = pW_ref[...].astype(jnp.bfloat16)

    e = meta_ref[s]
    slot = s % 2
    xrefs = (x0_ref, x1_ref, x2_ref, x3_ref)
    for k in range(_T):
        xg[slot, k * F:(k + 1) * F, :] = xrefs[k][0].astype(jnp.bfloat16)
    h = jnp.dot(xg[slot], sWb[e], preferred_element_type=jnp.float32)
    h = h + sb_ref[e]
    h = h / (1.0 + jnp.abs(h))
    og = jnp.dot(h.astype(jnp.bfloat16), pWb[e],
                 preferred_element_type=jnp.float32)
    og = og + pb_ref[e]
    for k in range(_T):
        t = meta_ref[n_tiles + _T * s + k]
        o_ref[t] = og[k * F:(k + 1) * F, :]


def kernel(x, eid, stitch_W, stitch_b, proj_W, proj_b):
    B, F, N = x.shape
    E, _, M = stitch_W.shape
    P = proj_W.shape[-1]
    S = B // _T + E - 1

    eid32 = eid.astype(jnp.int32)
    order = jnp.argsort(eid32).astype(jnp.int32)
    counts = jnp.bincount(eid32, length=E).astype(jnp.int32)
    offs = jnp.concatenate([jnp.zeros((1,), jnp.int32),
                            jnp.cumsum(counts).astype(jnp.int32)])
    ntile = -(-counts // _T)
    tstart = jnp.concatenate([jnp.zeros((1,), jnp.int32),
                              jnp.cumsum(ntile).astype(jnp.int32)])
    s_idx = jnp.arange(S, dtype=jnp.int32)
    e_s = jnp.clip(jnp.searchsorted(tstart, s_idx, side='right') - 1, 0, E - 1)
    e_s = e_s.astype(jnp.int32)
    k_s = s_idx - tstart[e_s]
    raw = (offs[e_s] + k_s * _T)[:, None] + jnp.arange(_T, dtype=jnp.int32)[None, :]
    sorted_pos = jnp.where(raw < offs[e_s + 1][:, None], raw, offs[e_s][:, None])
    live = s_idx < tstart[E]
    e_s = jnp.where(live, e_s, e_s[0])
    sorted_pos = jnp.where(live[:, None], sorted_pos, sorted_pos[0:1, :])
    trial = order[sorted_pos]
    meta = jnp.concatenate([e_s, trial.reshape(-1).astype(jnp.int32)])

    sb3 = stitch_b.reshape(E, 1, M)
    pb3 = proj_b.reshape(E, 1, P)

    x_specs = [
        pl.BlockSpec((1, F, N),
                     (lambda k: (lambda i, m: (m[S + _T * i + k], 0, 0)))(k))
        for k in range(_T)
    ]
    grid_spec = pltpu.PrefetchScalarGridSpec(
        num_scalar_prefetch=1,
        grid=(S,),
        in_specs=x_specs + [
            pl.BlockSpec((E, N, M), lambda i, m: (0, 0, 0)),
            pl.BlockSpec((E, 1, M), lambda i, m: (0, 0, 0)),
            pl.BlockSpec((E, M, P), lambda i, m: (0, 0, 0)),
            pl.BlockSpec((E, 1, P), lambda i, m: (0, 0, 0)),
        ],
        out_specs=pl.BlockSpec((B, F, P), lambda i, m: (0, 0, 0)),
        scratch_shapes=[
            pltpu.VMEM((E, N, M), jnp.bfloat16),
            pltpu.VMEM((E, M, P), jnp.bfloat16),
            pltpu.VMEM((2, _T * F, N), jnp.bfloat16),
        ],
    )
    return pl.pallas_call(
        _stitch_kernel,
        grid_spec=grid_spec,
        out_shape=jax.ShapeDtypeStruct((B, F, P), jnp.float32),
    )(meta, x, x, x, x, stitch_W, sb3, proj_W, pb3)

# --- scband reference (transcript-rebuilt; emitter-appended) ---
"""Pipeline reference for scband-stitch-encoder-81389630259656 (READ-ONLY COPY).

The authoritative reference and input builder live on the scoring server;
editing this copy changes nothing except your own understanding.
"""

import jax, jax.numpy as jnp
import numpy as np

N_EIDS = 8
N = 512        # max(eid_list.values())
P = 256        # n_channels
MAX_F = 100
B = 64
SCALE = 1.0


def setup_inputs(seed: int = 0) -> dict:
    key = jax.random.key(seed)
    k0, k1, k2, k3 = jax.random.split(key, 4)
    x = jax.random.normal(k0, (B, MAX_F, N), dtype=jnp.float32)
    eid = jax.random.randint(k1, (B,), 0, N_EIDS, dtype=jnp.int64 if jax.config.read('jax_enable_x64') else jnp.int32)
    # per-eid stitcher Linear(N, 2N): weight [N_EIDS, N, 2N] (stored transposed vs torch), bias [N_EIDS, 2N]
    stitch_W = (jax.random.normal(k2, (N_EIDS, N, 2 * N), dtype=jnp.float32) * 0.02)
    stitch_b = jnp.zeros((N_EIDS, 2 * N), dtype=jnp.float32)
    # per-eid project Linear(2N, P)
    proj_W = (jax.random.normal(k3, (N_EIDS, 2 * N, P), dtype=jnp.float32) * 0.02)
    proj_b = jnp.zeros((N_EIDS, P), dtype=jnp.float32)
    return {"x": x, "eid": eid, "stitch_W": stitch_W, "stitch_b": stitch_b, "proj_W": proj_W, "proj_b": proj_b}


def reference(x, eid, stitch_W, stitch_b, proj_W, proj_b):
    # Gather each trial's session-specific (expert) weights -- equivalent to the
    # torch loop over unique eids with per-group nn.Linear, but vectorized.
    sW = stitch_W[eid]              # [B, N, 2N]  (gather = SparseCore-mappable)
    sb = stitch_b[eid]              # [B, 2N]
    stitched = jnp.einsum('bfn,bnm->bfm', x, sW) + sb[:, None, :]
    # Softsign activation, then scale
    stitched = stitched / (1.0 + jnp.abs(stitched))
    stitched = stitched * SCALE
    pW = proj_W[eid]                # [B, 2N, P]
    pb = proj_b[eid]                # [B, P]
    out = jnp.einsum('bfm,bmp->bfp', stitched, pW) + pb[:, None, :]
    return out                       # [B, MAX_F, P]

if __name__ == "__main__":
    import jax
    _d = setup_inputs()
    print(jax.jit(kernel)(*tuple(_d.values())))

</pallas_src>

<mosaic_0001>
module attributes {stable_mosaic.version = 14 : i64} {
  func.func @_stitch_kernel(%arg0: i32, %arg1: memref<115xi32, #tpu.memory_space<smem>>, %arg2: memref<1x100x512xf32, #tpu.memory_space<vmem>>, %arg3: memref<1x100x512xf32, #tpu.memory_space<vmem>>, %arg4: memref<1x100x512xf32, #tpu.memory_space<vmem>>, %arg5: memref<1x100x512xf32, #tpu.memory_space<vmem>>, %arg6: memref<8x512x1024xf32, #tpu.memory_space<vmem>>, %arg7: memref<8x1x1024xf32, #tpu.memory_space<vmem>>, %arg8: memref<8x1024x256xf32, #tpu.memory_space<vmem>>, %arg9: memref<8x1x256xf32, #tpu.memory_space<vmem>>, %arg10: memref<64x100x256xf32, #tpu.memory_space<vmem>>, %arg11: memref<8x512x1024xbf16, #tpu.memory_space<vmem>>, %arg12: memref<8x1024x256xbf16, #tpu.memory_space<vmem>>, %arg13: memref<2x400x512xbf16, #tpu.memory_space<vmem>>) attributes {dimension_semantics = [#tpu.dimension_semantics<arbitrary>], iteration_bounds = array<i64: 23>, scalar_prefetch = 1 : i64, scratch_operands = 3 : i64, tpu.core_type = #tpu.core_type<tc>, window_params = [{transform_indices = @transform_0, window_bounds = array<i64: 1, 100, 512>}, {transform_indices = @transform_1, window_bounds = array<i64: 1, 100, 512>}, {transform_indices = @transform_2, window_bounds = array<i64: 1, 100, 512>}, {transform_indices = @transform_3, window_bounds = array<i64: 1, 100, 512>}, {pipeline_mode = #tpu.pipeline_mode<synchronous>, transform_indices = @transform_4, window_bounds = array<i64: 8, 512, 1024>}, {pipeline_mode = #tpu.pipeline_mode<synchronous>, transform_indices = @transform_5, window_bounds = array<i64: 8, 1, 1024>}, {pipeline_mode = #tpu.pipeline_mode<synchronous>, transform_indices = @transform_6, window_bounds = array<i64: 8, 1024, 256>}, {pipeline_mode = #tpu.pipeline_mode<synchronous>, transform_indices = @transform_7, window_bounds = array<i64: 8, 1, 256>}, {pipeline_mode = #tpu.pipeline_mode<synchronous>, transform_indices = @transform_8, window_bounds = array<i64: 64, 100, 256>}]} {
    %eq3A = arith.constant 0 : i32
    %eq3A_0 = arith.cmpi eq, %arg0, %eq3A : i32
    %convert_element_type3A = arith.extui %eq3A_0 : i1 to i32
    %cond3A = arith.constant 0 : i32
    %cond3A_1 = arith.cmpi ne, %convert_element_type3A, %cond3A : i32
    scf.if %cond3A_1 {
      %get3A_153 = arith.constant 0 : index
      %get3A_154 = arith.constant 0 : index
      %get3A_155 = arith.constant 0 : index
      %get3A_156 = vector.load %arg6[%get3A_153, %get3A_154, %get3A_155] : memref<8x512x1024xf32, #tpu.memory_space<vmem>>, vector<8x512x1024xf32>
      %convert_element_type3A_157 = arith.truncf %get3A_156 : vector<8x512x1024xf32> to vector<8x512x1024xbf16>
      %swap3A_158 = arith.constant 0 : index
      %swap3A_159 = arith.constant 0 : index
      %swap3A_160 = arith.constant 0 : index
      %swap3A_161 = vector.load %arg11[%swap3A_158, %swap3A_159, %swap3A_160] : memref<8x512x1024xbf16, #tpu.memory_space<vmem>>, vector<8x512x1024xbf16>
      tpu.vector_store %arg11[%swap3A_158, %swap3A_159, %swap3A_160], %convert_element_type3A_157 {strides = array<i32>} : memref<8x512x1024xbf16, #tpu.memory_space<vmem>>, vector<8x512x1024xbf16>,
      %get3A_162 = arith.constant 0 : index
      %get3A_163 = arith.constant 0 : index
      %get3A_164 = arith.constant 0 : index
      %get3A_165 = vector.load %arg8[%get3A_162, %get3A_163, %get3A_164] : memref<8x1024x256xf32, #tpu.memory_space<vmem>>, vector<8x1024x256xf32>
      %convert_element_type3A_166 = arith.truncf %get3A_165 : vector<8x1024x256xf32> to vector<8x1024x256xbf16>
      %swap3A_167 = arith.constant 0 : index
      %swap3A_168 = arith.constant 0 : index
      %swap3A_169 = arith.constant 0 : index
      %swap3A_170 = vector.load %arg12[%swap3A_167, %swap3A_168, %swap3A_169] : memref<8x1024x256xbf16, #tpu.memory_space<vmem>>, vector<8x1024x256xbf16>
      tpu.vector_store %arg12[%swap3A_167, %swap3A_168, %swap3A_169], %convert_element_type3A_166 {strides = array<i32>} : memref<8x1024x256xbf16, #tpu.memory_space<vmem>>, vector<8x1024x256xbf16>,
    } else {
    }
    %get3A = arith.index_cast %arg0 : i32 to index
    %get3A_2 = memref.load %arg1[%get3A] : memref<115xi32, #tpu.memory_space<smem>>
    %jit3A = arith.constant 2 : i32
    %eq3A_3 = arith.constant 0 : i32
    %eq3A_4 = arith.cmpi eq, %jit3A, %eq3A_3 : i32
    %jit3A_5 = arith.constant 1 : i32
    %select_n3A = arith.select %eq3A_4, %jit3A_5, %jit3A : i32
    %rem3A = arith.remsi %arg0, %select_n3A : i32
    %ne3A = arith.constant 0 : i32
    %ne3A_6 = arith.cmpi ne, %rem3A, %ne3A : i32
    %lt3A = arith.constant 0 : i32
    %lt3A_7 = arith.cmpi slt, %rem3A, %lt3A : i32
    %lt3A_8 = arith.constant 0 : i32
    %lt3A_9 = arith.cmpi slt, %select_n3A, %lt3A_8 : i32
    %ne3A_10 = arith.xori %lt3A_7, %lt3A_9 : i1
    %and3A = arith.andi %ne3A_10, %ne3A_6 : i1
    %add3A = arith.addi %rem3A, %select_n3A : i32
    %select_n3A_11 = arith.select %and3A, %add3A, %rem3A : i32
    %get3A_12 = arith.constant 0 : index
    %get3A_13 = arith.constant 0 : index
    %get3A_14 = arith.constant 0 : index
    %get3A_15 = vector.load %arg2[%get3A_12, %get3A_13, %get3A_14] : memref<1x100x512xf32, #tpu.memory_space<vmem>>, vector<1x100x512xf32>
    %get3A_16 = vector.shape_cast %get3A_15 : vector<1x100x512xf32> to vector<100x512xf32>
    %convert_element_type3A_17 = arith.truncf %get3A_16 : vector<100x512xf32> to vector<100x512xbf16>
    %swap3A = arith.index_cast %select_n3A_11 : i32 to index
    %swap3A_18 = arith.constant 0 : index
    %swap3A_19 = arith.constant 0 : index
    %swap3A_20 = vector.load %arg13[%swap3A, %swap3A_18, %swap3A_19] : memref<2x400x512xbf16, #tpu.memory_space<vmem>>, vector<1x100x512xbf16>
    %swap3A_21 = vector.shape_cast %swap3A_20 : vector<1x100x512xbf16> to vector<100x512xbf16>
    %swap3A_22 = vector.shape_cast %convert_element_type3A_17 : vector<100x512xbf16> to vector<1x100x512xbf16>
    tpu.vector_store %arg13[%swap3A, %swap3A_18, %swap3A_19], %swap3A_22 {strides = array<i32>} : memref<2x400x512xbf16, #tpu.memory_space<vmem>>, vector<1x100x512xbf16>,
    %get3A_23 = arith.constant 0 : index
    %get3A_24 = arith.constant 0 : index
    %get3A_25 = arith.constant 0 : index
    %get3A_26 = vector.load %arg3[%get3A_23, %get3A_24, %get3A_25] : memref<1x100x512xf32, #tpu.memory_space<vmem>>, vector<1x100x512xf32>
    %get3A_27 = vector.shape_cast %get3A_26 : vector<1x100x512xf32> to vector<100x512xf32>
    %convert_element_type3A_28 = arith.truncf %get3A_27 : vector<100x512xf32> to vector<100x512xbf16>
    %swap3A_29 = arith.index_cast %select_n3A_11 : i32 to index
    %swap3A_30 = arith.constant 100 : index
    %swap3A_31 = arith.constant 0 : index
    %swap3A_32 = vector.load %arg13[%swap3A_29, %swap3A_30, %swap3A_31] : memref<2x400x512xbf16, #tpu.memory_space<vmem>>, vector<1x100x512xbf16>
    %swap3A_33 = vector.shape_cast %swap3A_32 : vector<1x100x512xbf16> to vector<100x512xbf16>
    %swap3A_34 = vector.shape_cast %convert_element_type3A_28 : vector<100x512xbf16> to vector<1x100x512xbf16>
    tpu.vector_store %arg13[%swap3A_29, %swap3A_30, %swap3A_31], %swap3A_34 {strides = array<i32>} : memref<2x400x512xbf16, #tpu.memory_space<vmem>>, vector<1x100x512xbf16>,
    %get3A_35 = arith.constant 0 : index
    %get3A_36 = arith.constant 0 : index
    %get3A_37 = arith.constant 0 : index
    %get3A_38 = vector.load %arg4[%get3A_35, %get3A_36, %get3A_37] : memref<1x100x512xf32, #tpu.memory_space<vmem>>, vector<1x100x512xf32>
    %get3A_39 = vector.shape_cast %get3A_38 : vector<1x100x512xf32> to vector<100x512xf32>
    %convert_element_type3A_40 = arith.truncf %get3A_39 : vector<100x512xf32> to vector<100x512xbf16>
    %swap3A_41 = arith.index_cast %select_n3A_11 : i32 to index
    %swap3A_42 = arith.constant 200 : index
    %swap3A_43 = arith.constant 0 : index
    %swap3A_44 = vector.load %arg13[%swap3A_41, %swap3A_42, %swap3A_43] : memref<2x400x512xbf16, #tpu.memory_space<vmem>>, vector<1x100x512xbf16>
    %swap3A_45 = vector.shape_cast %swap3A_44 : vector<1x100x512xbf16> to vector<100x512xbf16>
    %swap3A_46 = vector.shape_cast %convert_element_type3A_40 : vector<100x512xbf16> to vector<1x100x512xbf16>
    tpu.vector_store %arg13[%swap3A_41, %swap3A_42, %swap3A_43], %swap3A_46 {strides = array<i32>} : memref<2x400x512xbf16, #tpu.memory_space<vmem>>, vector<1x100x512xbf16>,
    %get3A_47 = arith.constant 0 : index
    %get3A_48 = arith.constant 0 : index
    %get3A_49 = arith.constant 0 : index
    %get3A_50 = vector.load %arg5[%get3A_47, %get3A_48, %get3A_49] : memref<1x100x512xf32, #tpu.memory_space<vmem>>, vector<1x100x512xf32>
    %get3A_51 = vector.shape_cast %get3A_50 : vector<1x100x512xf32> to vector<100x512xf32>
    %convert_element_type3A_52 = arith.truncf %get3A_51 : vector<100x512xf32> to vector<100x512xbf16>
    %swap3A_53 = arith.index_cast %select_n3A_11 : i32 to index
    %swap3A_54 = arith.constant 300 : index
    %swap3A_55 = arith.constant 0 : index
    %swap3A_56 = vector.load %arg13[%swap3A_53, %swap3A_54, %swap3A_55] : memref<2x400x512xbf16, #tpu.memory_space<vmem>>, vector<1x100x512xbf16>
    %swap3A_57 = vector.shape_cast %swap3A_56 : vector<1x100x512xbf16> to vector<100x512xbf16>
    %swap3A_58 = vector.shape_cast %convert_element_type3A_52 : vector<100x512xbf16> to vector<1x100x512xbf16>
    tpu.vector_store %arg13[%swap3A_53, %swap3A_54, %swap3A_55], %swap3A_58 {strides = array<i32>} : memref<2x400x512xbf16, #tpu.memory_space<vmem>>, vector<1x100x512xbf16>,
    %get3A_59 = arith.index_cast %select_n3A_11 : i32 to index
    %get3A_60 = arith.constant 0 : index
    %get3A_61 = arith.constant 0 : index
    %get3A_62 = vector.load %arg13[%get3A_59, %get3A_60, %get3A_61] : memref<2x400x512xbf16, #tpu.memory_space<vmem>>, vector<1x400x512xbf16>
    %get3A_63 = vector.shape_cast %get3A_62 : vector<1x400x512xbf16> to vector<400x512xbf16>
    %get3A_64 = arith.index_cast %get3A_2 : i32 to index
    %get3A_65 = arith.constant 0 : index
    %get3A_66 = arith.constant 0 : index
    %get3A_67 = vector.load %arg11[%get3A_64, %get3A_65, %get3A_66] : memref<8x512x1024xbf16, #tpu.memory_space<vmem>>, vector<1x512x1024xbf16>
    %get3A_68 = vector.shape_cast %get3A_67 : vector<1x512x1024xbf16> to vector<512x1024xbf16>
    %dot_general3A = arith.constant dense<0.000000e+00> : vector<400x1024xf32>
    %dot_general3A_69 = tpu.matmul %get3A_63, %get3A_68, %dot_general3A {dimension_numbers = #tpu.dot_dimension_numbers<[1], [0], [0], [1], [0, 0, 1, 1], [], []>, transpose_lhs_hint = false} : vector<400x512xbf16>, vector<512x1024xbf16>, vector<400x1024xf32> -> vector<400x1024xf32>
    %get3A_70 = arith.index_cast %get3A_2 : i32 to index
    %get3A_71 = arith.constant 0 : index
    %get3A_72 = arith.constant 0 : index
    %get3A_73 = vector.load %arg7[%get3A_70, %get3A_71, %get3A_72] : memref<8x1x1024xf32, #tpu.memory_space<vmem>>, vector<1x1x1024xf32>
    %get3A_74 = vector.shape_cast %get3A_73 : vector<1x1x1024xf32> to vector<1x1024xf32>
    %add3A_75 = vector.broadcast %get3A_74 : vector<1x1024xf32> to vector<400x1024xf32>
    %add3A_76 = arith.addf %dot_general3A_69, %add3A_75 : vector<400x1024xf32>
    %abs3A = math.absf %add3A_76 : vector<400x1024xf32>
    %add3A_77 = arith.constant 1.000000e+00 : f32
    %add3A_78 = vector.broadcast %add3A_77 : f32 to vector<400x1024xf32>
    %add3A_79 = arith.addf %add3A_78, %abs3A : vector<400x1024xf32>
    %div3A = arith.divf %add3A_76, %add3A_79 : vector<400x1024xf32>
    %convert_element_type3A_80 = arith.truncf %div3A : vector<400x1024xf32> to vector<400x1024xbf16>
    %get3A_81 = arith.index_cast %get3A_2 : i32 to index
    %get3A_82 = arith.constant 0 : index
    %get3A_83 = arith.constant 0 : index
    %get3A_84 = vector.load %arg12[%get3A_81, %get3A_82, %get3A_83] : memref<8x1024x256xbf16, #tpu.memory_space<vmem>>, vector<1x1024x256xbf16>
    %get3A_85 = vector.shape_cast %get3A_84 : vector<1x1024x256xbf16> to vector<1024x256xbf16>
    %dot_general3A_86 = arith.constant dense<0.000000e+00> : vector<400x256xf32>
    %dot_general3A_87 = tpu.matmul %convert_element_type3A_80, %get3A_85, %dot_general3A_86 {dimension_numbers = #tpu.dot_dimension_numbers<[1], [0], [0], [1], [0, 0, 1, 1], [], []>, transpose_lhs_hint = false} : vector<400x1024xbf16>, vector<1024x256xbf16>, vector<400x256xf32> -> vector<400x256xf32>
    %get3A_88 = arith.index_cast %get3A_2 : i32 to index
    %get3A_89 = arith.constant 0 : index
    %get3A_90 = arith.constant 0 : index
    %get3A_91 = vector.load %arg9[%get3A_88, %get3A_89, %get3A_90] : memref<8x1x256xf32, #tpu.memory_space<vmem>>, vector<1x1x256xf32>
    %get3A_92 = vector.shape_cast %get3A_91 : vector<1x1x256xf32> to vector<1x256xf32>
    %add3A_93 = vector.broadcast %get3A_92 : vector<1x256xf32> to vector<400x256xf32>
    %add3A_94 = arith.addf %dot_general3A_87, %add3A_93 : vector<400x256xf32>
    %mul3A = arith.constant 4 : i32
    %mul3A_95 = arith.muli %mul3A, %arg0 : i32
    %add3A_96 = arith.constant 23 : i32
    %add3A_97 = arith.addi %add3A_96, %mul3A_95 : i32
    %add3A_98 = arith.constant 0 : i32
    %add3A_99 = arith.addi %add3A_97, %add3A_98 : i32
    %get3A_100 = arith.index_cast %add3A_99 : i32 to index
    %get3A_101 = memref.load %arg1[%get3A_100] : memref<115xi32, #tpu.memory_space<smem>>
    %slice3A = vector.extract_strided_slice %add3A_94 {offsets = [0, 0], sizes = [100, 256], strides = [1, 1]} : vector<400x256xf32> to vector<100x256xf32>
    %swap3A_102 = arith.index_cast %get3A_101 : i32 to index
    %swap3A_103 = arith.constant 0 : index
    %swap3A_104 = arith.constant 0 : index
    %swap3A_105 = vector.load %arg10[%swap3A_102, %swap3A_103, %swap3A_104] : memref<64x100x256xf32, #tpu.memory_space<vmem>>, vector<1x100x256xf32>
    %swap3A_106 = vector.shape_cast %swap3A_105 : vector<1x100x256xf32> to vector<100x256xf32>
    %swap3A_107 = vector.shape_cast %slice3A : vector<100x256xf32> to vector<1x100x256xf32>
    tpu.vector_store %arg10[%swap3A_102, %swap3A_103, %swap3A_104], %swap3A_107 {strides = array<i32>} : memref<64x100x256xf32, #tpu.memory_space<vmem>>, vector<1x100x256xf32>,
    %mul3A_108 = arith.constant 4 : i32
    %mul3A_109 = arith.muli %mul3A_108, %arg0 : i32
    %add3A_110 = arith.constant 23 : i32
    %add3A_111 = arith.addi %add3A_110, %mul3A_109 : i32
    %add3A_112 = arith.constant 1 : i32
    %add3A_113 = arith.addi %add3A_111, %add3A_112 : i32
    %get3A_114 = arith.index_cast %add3A_113 : i32 to index
    %get3A_115 = memref.load %arg1[%get3A_114] : memref<115xi32, #tpu.memory_space<smem>>
    %slice3A_116 = vector.extract_strided_slice %add3A_94 {offsets = [100, 0], sizes = [100, 256], strides = [1, 1]} : vector<400x256xf32> to vector<100x256xf32>
    %swap3A_117 = arith.index_cast %get3A_115 : i32 to index
    %swap3A_118 = arith.constant 0 : index
    %swap3A_119 = arith.constant 0 : index
    %swap3A_120 = vector.load %arg10[%swap3A_117, %swap3A_118, %swap3A_119] : memref<64x100x256xf32, #tpu.memory_space<vmem>>, vector<1x100x256xf32>
    %swap3A_121 = vector.shape_cast %swap3A_120 : vector<1x100x256xf32> to vector<100x256xf32>
    %swap3A_122 = vector.shape_cast %slice3A_116 : vector<100x256xf32> to vector<1x100x256xf32>
    tpu.vector_store %arg10[%swap3A_117, %swap3A_118, %swap3A_119], %swap3A_122 {strides = array<i32>} : memref<64x100x256xf32, #tpu.memory_space<vmem>>, vector<1x100x256xf32>,
    %mul3A_123 = arith.constant 4 : i32
    %mul3A_124 = arith.muli %mul3A_123, %arg0 : i32
    %add3A_125 = arith.constant 23 : i32
    %add3A_126 = arith.addi %add3A_125, %mul3A_124 : i32
    %add3A_127 = arith.constant 2 : i32
    %add3A_128 = arith.addi %add3A_126, %add3A_127 : i32
    %get3A_129 = arith.index_cast %add3A_128 : i32 to index
    %get3A_130 = memref.load %arg1[%get3A_129] : memref<115xi32, #tpu.memory_space<smem>>
    %slice3A_131 = vector.extract_strided_slice %add3A_94 {offsets = [200, 0], sizes = [100, 256], strides = [1, 1]} : vector<400x256xf32> to vector<100x256xf32>
    %swap3A_132 = arith.index_cast %get3A_130 : i32 to index
    %swap3A_133 = arith.constant 0 : index
    %swap3A_134 = arith.constant 0 : index
    %swap3A_135 = vector.load %arg10[%swap3A_132, %swap3A_133, %swap3A_134] : memref<64x100x256xf32, #tpu.memory_space<vmem>>, vector<1x100x256xf32>
    %swap3A_136 = vector.shape_cast %swap3A_135 : vector<1x100x256xf32> to vector<100x256xf32>
    %swap3A_137 = vector.shape_cast %slice3A_131 : vector<100x256xf32> to vector<1x100x256xf32>
    tpu.vector_store %arg10[%swap3A_132, %swap3A_133, %swap3A_134], %swap3A_137 {strides = array<i32>} : memref<64x100x256xf32, #tpu.memory_space<vmem>>, vector<1x100x256xf32>,
    %mul3A_138 = arith.constant 4 : i32
    %mul3A_139 = arith.muli %mul3A_138, %arg0 : i32
    %add3A_140 = arith.constant 23 : i32
    %add3A_141 = arith.addi %add3A_140, %mul3A_139 : i32
    %add3A_142 = arith.constant 3 : i32
    %add3A_143 = arith.addi %add3A_141, %add3A_142 : i32
    %get3A_144 = arith.index_cast %add3A_143 : i32 to index
    %get3A_145 = memref.load %arg1[%get3A_144] : memref<115xi32, #tpu.memory_space<smem>>
    %slice3A_146 = vector.extract_strided_slice %add3A_94 {offsets = [300, 0], sizes = [100, 256], strides = [1, 1]} : vector<400x256xf32> to vector<100x256xf32>
    %swap3A_147 = arith.index_cast %get3A_145 : i32 to index
    %swap3A_148 = arith.constant 0 : index
    %swap3A_149 = arith.constant 0 : index
    %swap3A_150 = vector.load %arg10[%swap3A_147, %swap3A_148, %swap3A_149] : memref<64x100x256xf32, #tpu.memory_space<vmem>>, vector<1x100x256xf32>
    %swap3A_151 = vector.shape_cast %swap3A_150 : vector<1x100x256xf32> to vector<100x256xf32>
    %swap3A_152 = vector.shape_cast %slice3A_146 : vector<100x256xf32> to vector<1x100x256xf32>
    tpu.vector_store %arg10[%swap3A_147, %swap3A_148, %swap3A_149], %swap3A_152 {strides = array<i32>} : memref<64x100x256xf32, #tpu.memory_space<vmem>>, vector<1x100x256xf32>,
    return
  }
  func.func @transform_0(%arg0: i32, %arg1: memref<115xi32, #tpu.memory_space<smem>>) -> (i32, i32, i32) {
    %mul3A = arith.constant 4 : i32
    %mul3A_0 = arith.muli %mul3A, %arg0 : i32
    %add3A = arith.constant 23 : i32
    %add3A_1 = arith.addi %add3A, %mul3A_0 : i32
    %add3A_2 = arith.constant 0 : i32
    %add3A_3 = arith.addi %add3A_1, %add3A_2 : i32
    %get3A = arith.index_cast %add3A_3 : i32 to index
    %get3A_4 = memref.load %arg1[%get3A] : memref<115xi32, #tpu.memory_space<smem>>
    %c0_i32 = arith.constant 0 : i32
    %c0_i32_5 = arith.constant 0 : i32
    %c0_i32_6 = arith.constant 0 : i32
    return %get3A_4, %c0_i32, %c0_i32_5 : i32, i32, i32
  }
  func.func @transform_1(%arg0: i32, %arg1: memref<115xi32, #tpu.memory_space<smem>>) -> (i32, i32, i32) {
    %mul3A = arith.constant 4 : i32
    %mul3A_0 = arith.muli %mul3A, %arg0 : i32
    %add3A = arith.constant 23 : i32
    %add3A_1 = arith.addi %add3A, %mul3A_0 : i32
    %add3A_2 = arith.constant 1 : i32
    %add3A_3 = arith.addi %add3A_1, %add3A_2 : i32
    %get3A = arith.index_cast %add3A_3 : i32 to index
    %get3A_4 = memref.load %arg1[%get3A] : memref<115xi32, #tpu.memory_space<smem>>
    %c0_i32 = arith.constant 0 : i32
    %c0_i32_5 = arith.constant 0 : i32
    %c0_i32_6 = arith.constant 0 : i32
    return %get3A_4, %c0_i32, %c0_i32_5 : i32, i32, i32
  }
  func.func @transform_2(%arg0: i32, %arg1: memref<115xi32, #tpu.memory_space<smem>>) -> (i32, i32, i32) {
    %mul3A = arith.constant 4 : i32
    %mul3A_0 = arith.muli %mul3A, %arg0 : i32
    %add3A = arith.constant 23 : i32
    %add3A_1 = arith.addi %add3A, %mul3A_0 : i32
    %add3A_2 = arith.constant 2 : i32
    %add3A_3 = arith.addi %add3A_1, %add3A_2 : i32
    %get3A = arith.index_cast %add3A_3 : i32 to index
    %get3A_4 = memref.load %arg1[%get3A] : memref<115xi32, #tpu.memory_space<smem>>
    %c0_i32 = arith.constant 0 : i32
    %c0_i32_5 = arith.constant 0 : i32
    %c0_i32_6 = arith.constant 0 : i32
    return %get3A_4, %c0_i32, %c0_i32_5 : i32, i32, i32
  }
  func.func @transform_3(%arg0: i32, %arg1: memref<115xi32, #tpu.memory_space<smem>>) -> (i32, i32, i32) {
    %mul3A = arith.constant 4 : i32
    %mul3A_0 = arith.muli %mul3A, %arg0 : i32
    %add3A = arith.constant 23 : i32
    %add3A_1 = arith.addi %add3A, %mul3A_0 : i32
    %add3A_2 = arith.constant 3 : i32
    %add3A_3 = arith.addi %add3A_1, %add3A_2 : i32
    %get3A = arith.index_cast %add3A_3 : i32 to index
    %get3A_4 = memref.load %arg1[%get3A] : memref<115xi32, #tpu.memory_space<smem>>
    %c0_i32 = arith.constant 0 : i32
    %c0_i32_5 = arith.constant 0 : i32
    %c0_i32_6 = arith.constant 0 : i32
    return %get3A_4, %c0_i32, %c0_i32_5 : i32, i32, i32
  }
  func.func @transform_4(%arg0: i32, %arg1: memref<115xi32, #tpu.memory_space<smem>>) -> (i32, i32, i32) {
    %c0_i32 = arith.constant 0 : i32
    %c0_i32_0 = arith.constant 0 : i32
    %c0_i32_1 = arith.constant 0 : i32
    %c0_i32_2 = arith.constant 0 : i32
    return %c0_i32, %c0_i32_0, %c0_i32_1 : i32, i32, i32
  }
  func.func @transform_5(%arg0: i32, %arg1: memref<115xi32, #tpu.memory_space<smem>>) -> (i32, i32, i32) {
    %c0_i32 = arith.constant 0 : i32
    %c0_i32_0 = arith.constant 0 : i32
    %c0_i32_1 = arith.constant 0 : i32
    %c0_i32_2 = arith.constant 0 : i32
    return %c0_i32, %c0_i32_0, %c0_i32_1 : i32, i32, i32
  }
  func.func @transform_6(%arg0: i32, %arg1: memref<115xi32, #tpu.memory_space<smem>>) -> (i32, i32, i32) {
    %c0_i32 = arith.constant 0 : i32
    %c0_i32_0 = arith.constant 0 : i32
    %c0_i32_1 = arith.constant 0 : i32
    %c0_i32_2 = arith.constant 0 : i32
    return %c0_i32, %c0_i32_0, %c0_i32_1 : i32, i32, i32
  }
  func.func @transform_7(%arg0: i32, %arg1: memref<115xi32, #tpu.memory_space<smem>>) -> (i32, i32, i32) {
    %c0_i32 = arith.constant 0 : i32
    %c0_i32_0 = arith.constant 0 : i32
    %c0_i32_1 = arith.constant 0 : i32
    %c0_i32_2 = arith.constant 0 : i32
    return %c0_i32, %c0_i32_0, %c0_i32_1 : i32, i32, i32
  }
  func.func @transform_8(%arg0: i32, %arg1: memref<115xi32, #tpu.memory_space<smem>>) -> (i32, i32, i32) {
    %c0_i32 = arith.constant 0 : i32
    %c0_i32_0 = arith.constant 0 : i32
    %c0_i32_1 = arith.constant 0 : i32
    %c0_i32_2 = arith.constant 0 : i32
    return %c0_i32, %c0_i32_0, %c0_i32_1 : i32, i32, i32
  }
}

</mosaic_0001>

<sc_bundles>
// kernel: scatter_offload_async_start
scs
__scs_entry_jumppad:
0x0: {  	(pc) =	sbr.rel $0x88, $3  }
0x1: {  	(tag) =	ssettag $0x0;
	lr =	simm.s32 $0x1  }
0x2: {  	[smem:$0x3F9B] =	sst lr;
	_ =	strace $0xD0000000  }
0x3: {  	_ = 	snop  }
0x4: {  	_ = 	snop  }
0x5: {  	_ = 	snop  }
0x6: {  	_ = 	snop  }
0x7: {  	_ = 	snop  }
__scs_overlays_trampoline_lowered:
0x8: {  	[smem:$0x3FAA] =	sst s0  }
0x9: {  	[smem:$0x3FAB] =	sst s1  }
0xa: {  	[smem:$0x3FAC] =	sst s2  }
0xb: {  	[smem:$0x3FAD] =	sst s3  }
0xc: {  	[smem:$0x3FAE] =	sst s4  }
0xd: {  	[smem:$0x3FAF] =	sst s5  }
0xe: {  	[smem:$0x3FB0] =	sst s6  }
0xf: {  	[smem:$0x3FB1] =	sst s7  }
0x10: {  	[smem:$0x3FB2] =	sst s8  }
0x11: {  	[smem:$0x3FB3] =	sst s9;
	s0 =	simm.s32 @!p0 $0x0  }
0x12: {  	s1 =	sld [smem:$0x3F99];
	s0 =	simm.s32 @p0 $0x1  }
0x13: {  	[smem:$0x3FB4] =	sst s0;
	s0 =	simm.s32 @!p1 $0x0  }
0x14: {  	s2 =	sld [smem:$0x3F98];
	s0 =	simm.s32 @p1 $0x1  }
0x15: {  	[smem:$0x3FB5] =	sst s0;
	s0 =	simm.s32 @!p2 $0x0  }
0x16: {  	s3 =	sld [smem:$0x3FDB];
	s0 =	simm.s32 @p2 $0x1  }
0x17: {  	s4 =	simm.s32 $0x1BF5;
	[smem:$0x3FB7] =	sst s0  }
0x18: {  	s0 =	sld [smem:$0x3F9A];
	_ =	swait.ge [sflag:s4], $0x0  }
0x19: {  	s7 =	sld [smem:$0x3F9B]  }
0x1a: {  	s8 =	sadd.s32 $0xFFFFE003, lr  }
0x1b: {  	s9 =	sadd.s32 $0xFFFFFEF7, lr;
	s5 =	simm.s32 $0xFFFFFFFF;
	p2 =	slt.u32 s8, $0xFFFFF086  }
0x1c: {  	p1 =	slt.u32 s9, $0xF7A;
	s5 =	simm.s32 @!p2 $0x0  }
0x1d: {  	s5 =	simm.s32 @p1 $0x1;
	p0 =	seq.s32 s7, s2  }
0x1e: {  	s7 =	smul.u32 @!p0 $0xF7A, s2;
	p2 =	seq.s32 @!p0 s5, $0x0  }
0x1f: {  	s9 =	smul.u32 $0xF7A, s1;
	s8 =	simm.s32 @!p0 $0x1BF5;
	p2 =	por !p2, p0  }
0x20: {  	[sflag:s8] =	ssyncset.s32 @!p0 $0xFFFFF086;
	s6 =	sadd.s32 @!p0 s3, s7;
	s7 =	simm.s32 @!p0 $0x108  }
0x21: {  	s3 =	sadd.s32 s3, s9;
	s6 =	sadd.s32 @!p0 $0x88, s6;
	s7 =	simm.s32 @p2 $0x1082  }
0x22: {  	[simem:s7], [sflag:s8] =	dma.local @!p0 [hbm:s6], $0xF7A  }
0x23: {  	s9 =	sor.u32 $0xD0000000, s2;
	s6 =	simm.s32 $0x108;
	_ =	swait.ge @!p0 [sflag:s8], $0x0  }
0x24: {  	s3 =	sadd.s32 $0x88, s3;
	s6 =	simm.s32 @!p1 $0x1082;
	[sflag:s4] =	ssyncset.s32 $0xFFFFF086  }
0x25: {  	[simem:s6], [sflag:s4] =	dma.local [hbm:s3], $0xF7A  }
0x26: {  	[smem:$0x3F9B] =	sst s1;
	(tag) =	ssettag s2;
	_ =	strace s9  }
0x27: {  	s1 =	sld [smem:$0x3FAB]  }
0x28: {  	s2 =	sld [smem:$0x3FAC]  }
0x29: {  	s4 =	sld [smem:$0x3FAE]  }
0x2a: {  	p0 =	seq.s32 s5, $0x0;
	s5 =	sld [smem:$0x3FAF]  }
0x2b: {  	s6 =	sld [smem:$0x3FB0]  }
0x2c: {  	s7 =	sld [smem:$0x3FB1]  }
0x2d: {  	s3 =	simm.s32 $0x108;
	s8 =	sld [smem:$0x3FB2]  }
0x2e: {  	s3 =	simm.s32 @!p0 $0x1082;
	s9 =	sld [smem:$0x3FB3]  }
0x2f: {  	lr =	sadd.s32 s0, s3;
	s0 =	sld [smem:$0x3FAA]  }
0x30: {  	s3 =	sld [smem:$0x3FAD]  }
0x31: {  	[smem:$0x3FB6] =	sst s10  }
0x32: {  	s10 =	sld [smem:$0x3FB4];
	_ =	sdelay $0x3  }
0x33: {  	p0 =	seq.s32 s10, $0x1;
	s10 =	sld [smem:$0x3FB6];
	_ =	sdelay $0x3  }
0x34: {  	[smem:$0x3FB6] =	sst s10  }
0x35: {  	s10 =	sld [smem:$0x3FB5];
	_ =	sdelay $0x3  }
0x36: {  	p1 =	seq.s32 s10, $0x1;
	s10 =	sld [smem:$0x3FB6];
	_ =	sdelay $0x3  }
0x37: {  	[smem:$0x3FB6] =	sst s10  }
0x38: {  	s10 =	sld [smem:$0x3FB7]  }
0x39: {  	_ = 	snop;
	(pc) =	sbr.ind lr, $3  }
0x3a: {  	_ = 	snop  }
0x3b: {  	_ = 	snop  }
0x3c: {  	p2 =	seq.s32 s10, $0x1;
	s10 =	sld [smem:$0x3FB6]  }
0x3d: {  	_ =	shalt  }
0x3e: {  	_ =	shalt  }
0x3f: {  	_ =	shalt  }
0x40: {  	_ =	shalt  }
0x41: {  	_ =	shalt  }
0x42: {  	_ =	shalt  }
0x43: {  	_ =	shalt  }
0x44: {  	_ =	shalt  }
0x45: {  	_ =	shalt  }
0x46: {  	_ =	shalt  }
0x47: {  	_ =	shalt  }
0x48: {  	_ =	shalt  }
0x49: {  	_ =	shalt  }
0x4a: {  	_ =	shalt  }
0x4b: {  	_ =	shalt  }
0x4c: {  	_ =	shalt  }
0x4d: {  	_ =	shalt  }
0x4e: {  	_ =	shalt  }
0x4f: {  	_ =	shalt  }
0x50: {  	_ =	shalt  }
0x51: {  	_ =	shalt  }
0x52: {  	_ =	shalt  }
0x53: {  	_ =	shalt  }
0x54: {  	_ =	shalt  }
0x55: {  	_ =	shalt  }
0x56: {  	_ =	shalt  }
0x57: {  	_ =	shalt  }
0x58: {  	_ =	shalt  }
0x59: {  	_ =	shalt  }
0x5a: {  	_ =	shalt  }
0x5b: {  	_ =	shalt  }
0x5c: {  	_ =	shalt  }
0x5d: {  	_ =	shalt  }
0x5e: {  	_ =	shalt  }
0x5f: {  	_ =	shalt  }
0x60: {  	_ =	shalt  }
0x61: {  	_ =	shalt  }
0x62: {  	_ =	shalt  }
0x63: {  	_ =	shalt  }
0x64: {  	_ =	shalt  }
0x65: {  	_ =	shalt  }
0x66: {  	_ =	shalt  }
0x67: {  	_ =	shalt  }
0x68: {  	_ =	shalt  }
0x69: {  	_ =	shalt  }
0x6a: {  	_ =	shalt  }
0x6b: {  	_ =	shalt  }
0x6c: {  	_ =	shalt  }
0x6d: {  	_ =	shalt  }
0x6e: {  	_ =	shalt  }
0x6f: {  	_ =	shalt  }
0x70: {  	_ =	shalt  }
0x71: {  	_ =	shalt  }
0x72: {  	_ =	shalt  }
0x73: {  	_ =	shalt  }
0x74: {  	_ =	shalt  }
0x75: {  	_ =	shalt  }
0x76: {  	_ =	shalt  }
0x77: {  	_ =	shalt  }
0x78: {  	_ =	shalt  }
0x79: {  	_ =	shalt  }
0x7a: {  	_ =	shalt  }
0x7b: {  	_ =	shalt  }
0x7c: {  	_ =	shalt  }
0x7d: {  	_ =	shalt  }
0x7e: {  	_ =	shalt  }
0x7f: {  	_ =	shalt  }
0x80: {  	_ =	shalt  }
0x81: {  	_ =	shalt  }
0x82: {  	_ =	shalt  }
0x83: {  	_ =	shalt  }
0x84: {  	_ =	shalt  }
0x85: {  	_ =	shalt  }
0x86: {  	_ =	shalt  }
0x87: {  	_ =	shalt  }
.Lfunc_end0:
.L_simem_size_0:
called_computation_lowered:
.L_overlay_start_0:
0x88: {  	s0 =	sld [smem:$0x3FD9]  }
0x89: {  	s1 =	sld [smem:$0x3FFE];
	_ =	sdelay $0x3  }
0x8a: {  	s0 =	sadd.s32 s1, s0  }
0x8b: {  	[smem:$0x3FC2] =	sst s0  }
0x8c: {  	_ = 	snop  }
0x8d: {  	s0 =	sld [smem:$0x3FD0];
	(tm) =	ssettm $0x1  }
0x8e: {  	s16 =	sld [smem:$0x3FFB];
	_ =	sdelay $0x3  }
0x8f: {  	_ =	strace s16  }
0x90: {  	s1 =	sld [smem:$0x3FFC];
	_ =	sdelay $0x3  }
0x91: {  	_ =	strace s1  }
0x92: {  	s1 =	sld [smem:$0x3FFD];
	_ =	sdelay $0x3  }
0x93: {  	_ =	strace s1  }
0x94: {  	_ =	strace $0x8FFFFFFF  }
0x95: {  	s17 =	sld [smem:$0x3FDB];
	_ =	sdelay $0x1  }
0x96: {  	s2 =	simm.s32 $_scs_section_size  }
0x97: {  	s3 =	simm.s32 $_size__tile_overlayer_lowered;
	s4 =	simm.s32 $_tile_overlayer_lowered  }
0x98: {  	s20 =	simm.s32 $0x1BFF;
	s19 =	sshll.u32 s4, $0x1;
	s1 =	sadd.s32 s2, s17  }
0x99: {  	s5 =	simm.s32 $0x0;
	s18 =	sshll.u32 s3, $0x1;
	s3 =	sadd.s32 s19, s1  }
0x9a: {  	[timem:s5], [sflag:s20] =	dma.local [hbm:s3], s18  }
0x9b: {  	_ =	swait.ge [sflag:s20], s18  }
0x9c: {  	s2 =	ssub.s32 $0x0, s18;
	[sflag:s20] =	ssyncset.done $0x0  }
0x9d: {  	[sflag:s20] =	ssyncadd.s32 s2;
	_ =	sdelay $0x1  }
0x9e: {  	s21 =	simm.s32 $0x1B8B  }
0x9f: {  	_ =	swait.ge [sflag:s21], $0x1  }
0xa0: {  	[sflag:s21] =	ssyncset.done $0x0  }
0xa1: {  	s23 =	simm.s32 $0x1B8E;
	s22 =	sld [smem:$0x3FFE];
	[sflag:s21] =	ssyncadd.s32 $0xFFFFFFFF  }
0xa2: {  	s24 =	simm.s32 $execute0_lowered;
	[smem:$0x3FD2] =	sst s23  }
0xa3: {  	s3 =	sshll.u32 s24, $0x1;
	_ =	strace $0x80000046;
	[dreg:$0x1] =	wrdreg $0xFFFFFFFF  }
0xa4: {  	s25 =	simm.s32 $_size_execute0_lowered;
	s1 =	sadd.s32 s1, s3;
	[dreg:$0x0] =	wrdreg $0x0  }
0xa5: {  	s3 =	sshll.u32 s25, $0x1;
	[dreg:$0x2] =	wrdreg s1  }
0xa6: {  	[dreg:$0x3] =	wrdreg s3  }
0xa7: {  	[dreg:$0x4] =	wrdreg $0xC0  }
0xa8: {  	_ =	task [dreg:s5], $0x5FFFF  }
0xa9: {  	[dreg:$0x1] =	wrdreg $0xFFFFFFFF  }
0xaa: {  	[dreg:$0x0] =	wrdreg $0x60  }
0xab: {  	[dreg:$0x2] =	wrdreg s0  }
0xac: {  	[dreg:$0x3] =	wrdreg s22  }
0xad: {  	[dreg:$0x4] =	wrdreg $0x9  }
0xae: {  	_ =	task.clear_ibuf [dreg:s5], $0x5FFFF;
	_ =	strace $0x90000046  }
0xaf: {  	s26 =	simm.s32 $0x9;
	_ =	strace $0x80000048  }
0xb0: {  	_ =	swait.ge [sflag:s26], $0x1  }
0xb1: {  	[sflag:s26] =	ssyncadd.s32 $0xFFFFFFFF  }
0xb2: {  	_ =	strace $0x90000048  }
0xb3: {  	_ =	sfence  }
0xb4: {  	s28 =	sld [smem:$0x0];
	_ =	sdelay $0x1  }
0xb5: {  	s29 =	srdreg.scid  }
0xb6: {  	s30 =	sshll.u32 s29, $0xD;
	s31 =	sshrl.u32 s29, $0x2  }
0xb7: {  	s2 =	sand.u32 $0x4000, s30;
	s1 =	sand.u32 $0x1, s29;
	s0 =	sadd.s32 s31, s28  }
0xb8: {  	s1 =	sor.u32 s2, s1;
	s0 =	sshll.u32 s0, $0x11  }
0xb9: {  	s0 =	sor.u32 s0, s1  }
0xba: {  	s0 =	sadd.s32 $0x8F2B, s0  }
0xbb: {  	[sflag:s0] =	ssyncadd.remote.s32 $0x1  }
0xbc: {  	_ =	sfence.sel $0xFFFF  }
0xbd: {  	[dreg:$0x0] =	wrdreg $0xFFFFFFFF;
	(pc) =	sbr.abs _section_cstart, $3  }
0xbe: {  	[dreg:$0x1] =	wrdreg $0xFFFFFFFF  }
0xbf: {  	_ =	task.clear_ibuf [dreg:s5], $0x2FFFF;
	_ =	strace $0x9FFFFFFF  }
0xc0: {  	(tm) =	ssettm $0x7FFFFFFF  }
0xc1: {  	_ =	shalt  }
tec
execute0_lowered:
.L_overlay_start_1:
0x0: {  	(tag) =	ssettag $0x1  }
0x1: {  	s1 =	rddreg [dreg:$0x0]  }
0x2: {  	s4 =	rddreg [dreg:$0x1]  }
0x3: {  	s0 =	rddreg [dreg:$0x2];
	s3 =	stileid.u32  }
0x4: {  	_ =	strace $0x80000047;
	s6 =	simm.s32 $0x3E;
	p0 =	sne.s32 s3, $0x0  }
0x5: {  	[sflag:s6] =	ssyncpa.u1 $0x0;
	s31 =	smin.u32 s3, $0x4;
	p1 =	slt.u32 s3, $0x4  }
0x6: {  	s3 =	simm.s32 $0x10;
	s5 =	simm.s32 @!p0 $0x1C3E;
	s2 =	simm.s32 @!p0 $0x0  }
0x7: {  	[spmem:s2], [sflag:s5] =	dma.local @!p0 [hbm:s1], $0x10  }
0x8: {  	s3 =	simm.s32 @!p1 $0x0;
	s5 =	sshll.u32 s31, $0x4  }
0x9: {  	s3 =	sadd.s32 s3, s5  }
0xa: {  	s9 =	smin.u32 s3, $0x40  }
0xb: {  	s8 =	ssub.s32 s9, s5  }
0xc: {  	p1 =	sgt.s32 s8, $0x0  }
0xd: {  	s7 =	simm.s32 @!p0 $0x3E;
	s8 =	simm.s32 @!p1 $0x0  }
0xe: {  	_ =	swait.ge @!p0 [sflag:s7], $0x10;
	s10 =	sshrl.u32 s8, $0x4  }
0xf: {  	[sflag:s7] =	ssyncset.done @!p0 $0x0;
	s11 =	sadd.s32 $0x1, s10  }
0x10: {  	p3 =	por $0x0, $0x0;
	[sflag:s7] =	ssyncadd.s32 @!p0 $0xFFFFFFF0;
	p1 =	sne.s32 s11, $0x1  }
.Ltmp0:
0x11: {  	s3 =	simm.s32 $0x1;
	[bflag:$0x0] =	sbarrier.arrive $0xFFFF;
	(pc) =	sbr.rel @!p1 .LBB2_1-.Ltmp0, $4  }
0x12: {  	s7 =	sadd.s32 $0x200, s4;
	[sflag:s6] =	ssyncpa.u1 $0x1;
	s6 =	sadd.s32 $0x400, s4  }
0x13: {  	s4 =	simm.s32 $0x2;
	s8 =	simm.s32 $0x0;
	p2 =	sle.u32 s10, $0x0  }
0x14: {  	[sflag:s3] =	ssyncpa.u1 $0x0;
	(ifvalue) =	ssetifvalue $0x80;
	s12 =	sxor.u32 @!p2 $0xFFFFFFFF, s8  }
0x15: {  	[sflag:s4] =	ssyncpa.u1 $0x0;
	s15 =	sshrl.u32 @!p2 s5, $0x3;
	s16 =	sand.u32 @!p2 $0x10, s12  }
0x16: {  	s12 =	sadd.s32 @!p2 s7, s15  }
0x17: {  	s13 =	sor.u32 @!p2 $0x8, s16;
	s14 =	sand.u32 @!p2 $0x7, s5;
	p1 =	por $0x1, $0x1  }
0x18: {  	[tilespmem:s13], [sflag:$0x2] =	stream.linear.gather @!p2 [hbm4b:s12+s14], $0x10, $0x38;
	[tilespmem:$0x48] =	vst v63  }
0x19: {  	s15 =	sadd.s32 @!p2 s6, s15;
	s12 =	sor.u32 @!p2 $0x28, s16;
	s13 =	simm.s32 @!p1 $0x2  }
0x1a: {  	[tilespmem:s12], [sflag:$0x2] =	stream.linear.gather @!p2 [hbm4b:s15+s14], $0x10, $0x38;
	[tilespmem:$0x48] =	vst v63  }
0x1b: {  	_ =	swait.ge @!p1 [sflag:s13], $0x20  }
0x1c: {  	s8 =	sand.u32 @!p1 $0x10, s8;
	[sflag:s13] =	ssyncset.done @!p1 $0x0  }
0x1d: {  	s12 =	sor.u32 @!p1 $0x8, s8;
	[sflag:s13] =	ssyncadd.s32 @!p1 $0xFFFFFFE0  }
0x1e: {  	v0 =	vld.msk @!p1 [tilespmem:s12+$0x0 ss:$0x1], $0xffff;
	_ =	sdelay $0x3  }
0x1f: {  	p4 =	sne.s32 s11, $0x2  }
.Ltmp1:
0x20: {  	s18 =	simm.s32 @!p1 $0x0;
	s17 =	simm.s32 @!p1 $0x1;
	v0 =	vmin.u32 @!p1 v0, $0x80;
	(pc) =	sbr.rel @!p4 .LBB2_3-.Ltmp1, $4  }
0x21: {  	s15 =	sadd.s32 $0x10, s5;
	p2 =	sle.u32 s10, $0x1;
	s14 =	smov.u32 s5  }
0x22: {  	p3 =	slt.s32 s15, s9;
	s13 =	sor.u32 @!p1 $0x28, s8;
	s8 =	simm.s32 $0x10  }
0x23: {  	s14 =	smov.u32 @p3 s15;
	p3 =	por $0x1, $0x1;
	s16 =	sxor.u32 @!p2 $0xFFFFFFFF, s8  }
0x24: {  	vm0 =	vmmov @!p1 $0xffff;
	s15 =	sshrl.u32 @!p2 s14, $0x3;
	s12 =	simm.s32 $0x2;
	s16 =	sand.u32 @!p2 $0x10, s16  }
.LBB2_4:
0x25: {  	[spmem:s18] =	stream.indirect_vreg.scatter.add.s32 @!p1 [tilespmem:s13], [sflag:$0x1], $0x1, v0, vm0, $0x4038;
	[tilespmem:$0x48] =	vst v63  }
0x26: {  	s13 =	sadd.s32 @!p2 s7, s15;
	s18 =	sor.u32 @!p2 $0x8, s16;
	_ =	swait.ge @!p1 [sflag:s17], $0x10  }
0x27: {  	s19 =	smov.u32 s12;
	s12 =	sadd.s32 $0x1, s12;
	[sflag:s17] =	ssyncset.done @!p1 $0x0  }
0x28: {  	s20 =	sand.u32 @!p2 $0x7, s14;
	[sflag:s17] =	ssyncadd.s32 @!p1 $0xFFFFFFF0;
	p1 =	seq.s32 s8, $0x0  }
0x29: {  	[tilespmem:s18], [sflag:$0x2] =	stream.linear.gather @!p2 [hbm4b:s13+s20], $0x10, $0x38;
	[tilespmem:$0x48] =	vst v63  }
0x2a: {  	s16 =	sor.u32 @!p2 $0x28, s16;
	s17 =	simm.s32 @!p1 $0x2;
	s13 =	sand.u32 @!p1 $0x10, s8  }
0x2b: {  	s15 =	sadd.s32 @!p2 s6, s15;
	s18 =	sor.u32 @!p1 $0x8, s13;
	s13 =	sor.u32 @!p1 $0x28, s13  }
0x2c: {  	[tilespmem:s16], [sflag:$0x2] =	stream.linear.gather @!p2 [hbm4b:s15+s20], $0x10, $0x38;
	[tilespmem:$0x48] =	vst v63  }
0x2d: {  	p4 =	sne.s32 s11, s12;
	_ =	swait.ge @!p1 [sflag:s17], $0x20  }
0x2e: {  	[sflag:s17] =	ssyncset.done @!p1 $0x0  }
0x2f: {  	[sflag:s17] =	ssyncadd.s32 @!p1 $0xFFFFFFE0  }
0x30: {  	v0 =	vld.msk @!p1 [tilespmem:s18+$0x0 ss:$0x1], $0xffff;
	_ =	sdelay $0x5  }
.Ltmp2:
0x31: {  	s8 =	sadd.s32 $0x10, s8;
	v0 =	vmin.u32 @!p1 v0, $0x80;
	(pc) =	sbr.rel @p4 .LBB2_4-.Ltmp2, $4  }
0x32: {  	vm0 =	vmmov @!p1 $0xffff;
	s15 =	sadd.s32 $0x10, s14;
	p2 =	sge.u32 s19, s10;
	s18 =	simm.s32 @!p1 $0x0  }
0x33: {  	s14 =	smov.u32 s5;
	p5 =	slt.s32 s15, s9;
	s17 =	simm.s32 @!p1 $0x1  }
0x34: {  	s16 =	sxor.u32 @!p2 $0xFFFFFFFF, s8;
	s14 =	smov.u32 @p5 s15  }
0x35: {  	s16 =	sand.u32 @!p2 $0x10, s16;
	s15 =	sshrl.u32 @!p2 s14, $0x3  }
0x36: {  	s5 =	smov.u32 s14  }
.LBB2_6:
0x37: {  	_ =	sdelay $0x2  }
0x38: {  	p3 =	por p1, !p3  }
0x39: {  	[spmem:s18] =	stream.indirect_vreg.scatter.add.s32 @!p3 [tilespmem:s13], [sflag:$0x1], $0x1, v0, vm0, $0x4038;
	[tilespmem:$0x48] =	vst v63  }
0x3a: {  	_ =	swait.ge @!p3 [sflag:s17], $0x10  }
0x3b: {  	s7 =	sadd.s32 @!p2 s7, s15;
	s9 =	sor.u32 @!p2 $0x8, s16;
	[sflag:s17] =	ssyncset.done @!p3 $0x0  }
0x3c: {  	s5 =	sand.u32 @!p2 $0x7, s5;
	p1 =	seq.s32 s8, $0x0;
	[sflag:s17] =	ssyncadd.s32 @!p3 $0xFFFFFFF0  }
0x3d: {  	[tilespmem:s9], [sflag:$0x2] =	stream.linear.gather @!p2 [hbm4b:s7+s5], $0x10, $0x38;
	[tilespmem:$0x48] =	vst v63  }
0x3e: {  	s6 =	sadd.s32 @!p2 s6, s15;
	s7 =	sor.u32 @!p2 $0x28, s16;
	s9 =	simm.s32 @!p1 $0x2  }
0x3f: {  	[tilespmem:s7], [sflag:$0x2] =	stream.linear.gather @!p2 [hbm4b:s6+s5], $0x10, $0x38;
	[tilespmem:$0x48] =	vst v63  }
0x40: {  	_ =	swait.ge @!p1 [sflag:s9], $0x20  }
0x41: {  	s5 =	sand.u32 @!p1 $0x10, s8;
	[sflag:s9] =	ssyncset.done @!p1 $0x0  }
0x42: {  	s6 =	sor.u32 @!p1 $0x8, s5;
	[sflag:s9] =	ssyncadd.s32 @!p1 $0xFFFFFFE0  }
0x43: {  	v0 =	vld.msk @!p1 [tilespmem:s6+$0x0 ss:$0x1], $0xffff;
	_ =	sdelay $0x4  }
0x44: {  	v0 =	vmin.u32 @!p1 v0, $0x80;
	_ =	sdelay $0x3  }
0x45: {  	vm0 =	vmmov @!p1 $0xffff;
	s7 =	simm.s32 @!p1 $0x1;
	s5 =	sor.u32 @!p1 $0x28, s5;
	s6 =	simm.s32 @!p1 $0x0  }
0x46: {  	[spmem:s6] =	stream.indirect_vreg.scatter.add.s32 @!p1 [tilespmem:s5], [sflag:$0x1], $0x1, v0, vm0, $0x4038;
	[tilespmem:$0x48] =	vst v63  }
0x47: {  	_ =	swait.ge @!p1 [sflag:s7], $0x10  }
0x48: {  	[sflag:s7] =	ssyncset.done @!p1 $0x0  }
0x49: {  	[sflag:s7] =	ssyncadd.s32 @!p1 $0xFFFFFFF0  }
0x4a: {  	_ =	sfence.sel $0x180000  }
0x4b: {  	[bflag:$0x0] =	sbarrier.arrive $0xFFFF  }
0x4c: {  	[sflag:s4] =	ssyncpa.u1 $0x1  }
0x4d: {  	[sflag:s3] =	ssyncpa.u1 $0x1  }
0x4e: {  	_ =	sfence.stream.spmem  }
0x4f: {  	s31 =	simm.s32 $0x3D;
	[bflag:$0x0] =	sbarrier.arrive $0xFFFF  }
0x50: {  	s3 =	simm.s32 @p0 $0x3D;
	[sflag:s31] =	ssyncpa.u1 $0x0  }
0x51: {  	[sflag:s3] =	ssyncpa.u1 @p0 $0x1  }
0x52: {  	[bflag:$0x0] =	sbarrier.arrive @p0 $0xFFFF  }
0x53: {  	_ =	strace @p0 $0x90000047  }
0x54: {  	s3 =	simm.s32 @!p0 $0x1C3D;
	[bflag:$0x2] =	sbarrier.arrive @p0 $0xFFFF  }
0x55: {  	[hbm:s1], [sflag:s3] =	dma.local @!p0 [spmem:s2], $0x10  }
0x56: {  	s1 =	simm.s32 @!p0 $0x3D  }
0x57: {  	_ =	swait.ge @!p0 [sflag:s1], $0x10  }
0x58: {  	[sflag:s1] =	ssyncset.done @!p0 $0x0  }
0x59: {  	[sflag:s1] =	ssyncadd.s32 @!p0 $0xFFFFFFF0  }
0x5a: {  	[sflag:s1] =	ssyncpa.u1 @!p0 $0x1  }
0x5b: {  	[bflag:$0x0] =	sbarrier.arrive @!p0 $0xFFFF  }
0x5c: {  	_ =	strace @!p0 $0x90000047  }
0x5d: {  	s0 =	sadd.s32 @!p0 $0x100000, s0;
	[bflag:$0x2] =	sbarrier.arrive @!p0 $0xFFFF  }
0x5e: {  	[sflag:s0] =	ssyncadd.tile.s32 @!p0 $0x1;
	_ =	shalt  }
.LBB2_1:
.Ltmp3:
0x5f: {  	(pc) =	sbr.rel .LBB2_6-.Ltmp3, $2  }
0x60: {  	_ =	sdelay $0x2  }
0x61: {  	_ = 	snop  }
.LBB2_3:
.Ltmp4:
0x62: {  	(pc) =	sbr.rel .LBB2_6-.Ltmp4, $2  }
0x63: {  	_ =	sdelay $0x2  }
0x64: {  	s5 =	smov.u32 s14  }
.Lfunc_end2:
_tile_overlayer_lowered:
.L_overlay_start_2:
0x65: {  	(tag) =	ssettag $0x2  }
0x66: {  	s0 =	rddreg [dreg:$0x0];
	s2 =	stileid.u32  }
0x67: {  	s1 =	rddreg [dreg:$0x1];
	p0 =	sne.s32 s2, $0x0  }
0x68: {  	s3 =	rddreg [dreg:$0x2];
	[bflag:$0x3] =	sbarrier.arrive $0xFFFF;
	s2 =	simm.s32 @!p0 $0x1C01  }
0x69: {  	[timem:s3], [sflag:s2] =	dma.local @!p0 [hbm:s0], s1  }
0x6a: {  	s0 =	simm.s32 @!p0 $0x1  }
0x6b: {  	_ =	swait.ge @!p0 [sflag:s0], s1  }
0x6c: {  	s1 =	ssub.s32 @!p0 $0x0, s1;
	[sflag:s0] =	ssyncset.done @!p0 $0x0  }
0x6d: {  	[sflag:s0] =	ssyncadd.s32 @!p0 s1  }
0x6e: {  	[bflag:$0x3] =	sbarrier.arrive $0xFFFF  }
0x6f: {  	_ =	shalt  }

</sc_bundles>
